<compile_context>
chip_gen: v7x
topology: tpu7x:2x2x1
jax: 0.10.2.dev20260603
libtpu: 0.0.44.dev20260713+nightly
codegen_flags: <defaults>
</compile_context>

<pallas_src>
import functools

import jax
import jax.numpy as jnp
from jax import lax
from jax.experimental import pallas as pl
from jax.experimental.pallas import tpu as pltpu
from jax.experimental.pallas import tpu_sc as plsc

N_NODES_C = 10000
N_EDGES_C = 320000
D_C = 128

_NC = 2
_NS = 16
_NW = _NC * _NS
_EPW = N_EDGES_C // _NW
_CH = 80
_NCHUNK = _EPW // _CH
_ROWS_PT = 624
_ROWS_TAIL = N_NODES_C - _NS * _ROWS_PT


def _sc_agg_body(src_hbm, dst_hbm, h_hbm, zeros_hbm, out_hbm,
                 sidx_v, dbuf_a, dbuf_b, rows_a, rows_b, agg_sh,
                 sem_a, sem_b, semd_a, semd_b):
    c = lax.axis_index("c")
    s = lax.axis_index("s")
    w = s * _NC + c

    r0 = s * _ROWS_PT
    pltpu.sync_copy(zeros_hbm.at[pl.ds(r0, _ROWS_PT)],
                    agg_sh.at[pl.ds(r0, _ROWS_PT)])

    @pl.when(s == _NS - 1)
    def _():
        t0 = _NS * _ROWS_PT
        pltpu.sync_copy(zeros_hbm.at[pl.ds(t0, _ROWS_TAIL)],
                        agg_sh.at[pl.ds(t0, _ROWS_TAIL)])

    pltpu.sync_copy(src_hbm.at[pl.ds(w * _EPW, _EPW)], sidx_v)
    plsc.subcore_barrier()

    def gat(i, rows, sem):
        return pltpu.make_async_copy(
            h_hbm.at[sidx_v.at[pl.ds(i * _CH, _CH)]], rows, sem)

    def didx(i, dbuf, semd):
        return pltpu.make_async_copy(
            dst_hbm.at[pl.ds(w * _EPW + i * _CH, _CH)], dbuf, semd)

    def start(i, rows, sem, dbuf, semd):
        gat(i, rows, sem).start()
        didx(i, dbuf, semd).start()

    def finish(i, rows, sem, dbuf, semd):
        gat(i, rows, sem).wait()
        didx(i, dbuf, semd).wait()
        pltpu.sync_copy(rows, agg_sh.at[dbuf], add=True)

    a_args = (rows_a, sem_a, dbuf_a, semd_a)
    b_args = (rows_b, sem_b, dbuf_b, semd_b)

    start(0, *a_args)

    def outer(t, carry):
        i = 2 * t
        start(i + 1, *b_args)
        finish(i, *a_args)
        start(i + 2, *a_args)
        finish(i + 1, *b_args)
        return carry

    lax.fori_loop(0, (_NCHUNK - 1) // 2, outer, 0)
    finish(_NCHUNK - 1, *a_args)

    plsc.subcore_barrier()
    pltpu.sync_copy(agg_sh.at[pl.ds(r0, _ROWS_PT)],
                    out_hbm.at[c, pl.ds(r0, _ROWS_PT)])

    @pl.when(s == _NS - 1)
    def _():
        t0 = _NS * _ROWS_PT
        pltpu.sync_copy(agg_sh.at[pl.ds(t0, _ROWS_TAIL)],
                        out_hbm.at[c, pl.ds(t0, _ROWS_TAIL)])


@jax.jit
def _sc_agg(src, dst, h, zeros):
    mesh = plsc.VectorSubcoreMesh(core_axis_name="c", subcore_axis_name="s")
    k = pl.kernel(
        _sc_agg_body,
        out_type=jax.ShapeDtypeStruct((_NC, N_NODES_C, D_C), jnp.float32),
        mesh=mesh,
        scratch_types=[
            pltpu.VMEM((_EPW,), jnp.int32),
            pltpu.VMEM((_CH,), jnp.int32),
            pltpu.VMEM((_CH,), jnp.int32),
            pltpu.VMEM((_CH, D_C), jnp.float32),
            pltpu.VMEM((_CH, D_C), jnp.float32),
            pltpu.VMEM_SHARED((N_NODES_C, D_C), jnp.float32),
            pltpu.SemaphoreType.DMA,
            pltpu.SemaphoreType.DMA,
            pltpu.SemaphoreType.DMA,
            pltpu.SemaphoreType.DMA,
        ],
    )
    return k(src, dst, h, zeros)


def _mlp_body(h_ref, a0_ref, a1_ref, w_ref, b_ref, eps_ref, out_ref):
    pre = (h_ref[...] * (1.0 + eps_ref[0, 0])
           + a0_ref[...] + a1_ref[...])
    y = jnp.dot(pre, w_ref[...], preferred_element_type=jnp.float32)
    out_ref[...] = jnp.maximum(y + b_ref[...], 0.0)


def _mlp_final_body(h_ref, a0_ref, a1_ref, w_ref, b_ref, eps_ref,
                    logits_ref, probs_ref):
    pre = (h_ref[...] * (1.0 + eps_ref[0, 0])
           + a0_ref[...] + a1_ref[...])
    y = jnp.dot(pre, w_ref[...], preferred_element_type=jnp.float32)
    logits = jnp.maximum(y + b_ref[...], 0.0)
    logits_ref[...] = logits
    m = jnp.max(logits, axis=-1, keepdims=True)
    e = jnp.exp(logits - m)
    probs_ref[...] = e / jnp.sum(e, axis=-1, keepdims=True)


_BN = 1000


def _row_spec():
    return pl.BlockSpec((_BN, D_C), lambda i: (i, 0))


def _full_spec(shape):
    return pl.BlockSpec(shape, lambda i: tuple(0 for _ in shape))


@jax.jit
def _tc_mlp(h, a0, a1, W, b, eps):
    return pl.pallas_call(
        _mlp_body,
        grid=(N_NODES_C // _BN,),
        in_specs=[_row_spec(), _row_spec(), _row_spec(),
                  _full_spec((D_C, D_C)), _full_spec((1, D_C)),
                  _full_spec((1, 1))],
        out_specs=_row_spec(),
        out_shape=jax.ShapeDtypeStruct((N_NODES_C, D_C), jnp.float32),
    )(h, a0, a1, W, b.reshape(1, D_C), eps.reshape(1, 1))


@jax.jit
def _tc_mlp_final(h, a0, a1, W, b, eps):
    return pl.pallas_call(
        _mlp_final_body,
        grid=(N_NODES_C // _BN,),
        in_specs=[_row_spec(), _row_spec(), _row_spec(),
                  _full_spec((D_C, D_C)), _full_spec((1, D_C)),
                  _full_spec((1, 1))],
        out_specs=(_row_spec(), _row_spec()),
        out_shape=(jax.ShapeDtypeStruct((N_NODES_C, D_C), jnp.float32),
                   jax.ShapeDtypeStruct((N_NODES_C, D_C), jnp.float32)),
    )(h, a0, a1, W, b.reshape(1, D_C), eps.reshape(1, 1))


def kernel(x, edge_index, W1, b1, eps1, W2, b2, eps2, W3, b3, eps3):
    src = edge_index[0].astype(jnp.int32)
    dst = edge_index[1].astype(jnp.int32)
    zeros = jnp.zeros((N_NODES_C, D_C), jnp.float32)

    agg = _sc_agg(src, dst, x, zeros)
    h = _tc_mlp(x, agg[0], agg[1], W1, b1, eps1)
    agg = _sc_agg(src, dst, h, zeros)
    h = _tc_mlp(h, agg[0], agg[1], W2, b2, eps2)
    agg = _sc_agg(src, dst, h, zeros)
    logits, probs = _tc_mlp_final(h, agg[0], agg[1], W3, b3, eps3)
    return (logits, probs)

# --- scband reference (transcript-rebuilt; emitter-appended) ---
"""Pipeline reference for scband-ginnet-nc-6837587935810 (READ-ONLY COPY).

The authoritative reference and input builder live on the scoring server;
editing this copy changes nothing except your own understanding.
"""

import jax, jax.numpy as jnp
import numpy as np

N_NODES = 10000
N_EDGES = 320000
D = 128


def setup_inputs(seed: int = 0) -> dict:
    key = jax.random.key(seed)
    ks = jax.random.split(key, 10)
    x = jax.random.normal(ks[0], (N_NODES, D), dtype=jnp.float32)
    edge_index = jax.random.randint(ks[1], (2, N_EDGES), 0, N_NODES, dtype=jnp.int64 if jax.config.jax_enable_x64 else jnp.int32)
    scale = 1.0 / np.sqrt(D)
    W1 = jax.random.uniform(ks[2], (D, D), jnp.float32, -scale, scale)
    b1 = jax.random.uniform(ks[3], (D,), jnp.float32, -scale, scale)
    W2 = jax.random.uniform(ks[4], (D, D), jnp.float32, -scale, scale)
    b2 = jax.random.uniform(ks[5], (D,), jnp.float32, -scale, scale)
    W3 = jax.random.uniform(ks[6], (D, D), jnp.float32, -scale, scale)
    b3 = jax.random.uniform(ks[7], (D,), jnp.float32, -scale, scale)
    eps1 = jnp.zeros((), jnp.float32)
    eps2 = jnp.zeros((), jnp.float32)
    eps3 = jnp.zeros((), jnp.float32)
    return {"x": x, "edge_index": edge_index, "W1": W1, "b1": b1, "eps1": eps1,
            "W2": W2, "b2": b2, "eps2": eps2, "W3": W3, "b3": b3, "eps3": eps3}


def reference(x, edge_index, W1, b1, eps1, W2, b2, eps2, W3, b3, eps3):
    src = edge_index[0]
    dst = edge_index[1]

    def gin_conv(h, W, b, eps):
        # GINConv: out = MLP((1 + eps) * h + sum_{j in N(i)} h_j)
        msgs = jnp.take(h, src, axis=0)
        agg = jax.ops.segment_sum(msgs, dst, num_segments=N_NODES)
        pre = (1.0 + eps) * h + agg
        # MLP = Sequential(Linear, ReLU)
        return jax.nn.relu(pre @ W + b)

    # layer 0 (followed by gnn_non_linear ReLU; emb_normlize=False)
    h = gin_conv(x, W1, b1, eps1)
    h = jax.nn.relu(h)
    # layer 1
    h = gin_conv(h, W2, b2, eps2)
    h = jax.nn.relu(h)
    # final layer -> logits
    logits = gin_conv(h, W3, b3, eps3)
    probs = jax.nn.softmax(logits, axis=-1)
    return (logits, probs)

if __name__ == "__main__":
    import jax
    _d = setup_inputs()
    print(jax.jit(kernel)(*tuple(_d.values())))

</pallas_src>

<mosaic_0001>
#map = affine_map<(d0, d1) -> (0)>
#map1 = affine_map<(d0, d1) -> (0, 0)>
#map2 = affine_map<(d0, d1) -> (0, 0, 0)>
module attributes {stable_mosaic.version = 14 : i64} {
  func.func @_sc_agg_body(%arg0: i32, %arg1: i32, %arg2: memref<320000xi32, #tpu.memory_space<hbm>>, %arg3: memref<320000xi32, #tpu.memory_space<hbm>>, %arg4: memref<10000x128xf32, #tpu.memory_space<hbm>>, %arg5: memref<10000x128xf32, #tpu.memory_space<hbm>>, %arg6: memref<2x10000x128xf32, #tpu.memory_space<hbm>>, %arg7: memref<10000xi32, #tpu.memory_space<vmem>>, %arg8: memref<80xi32, #tpu.memory_space<vmem>>, %arg9: memref<80xi32, #tpu.memory_space<vmem>>, %arg10: memref<80x128xf32, #tpu.memory_space<vmem>>, %arg11: memref<80x128xf32, #tpu.memory_space<vmem>>, %arg12: memref<10000x128xf32, #tpu.memory_space<vmem_shared>>, %arg13: memref<!tpu.dma_semaphore, #tpu.memory_space<semaphore_mem>>, %arg14: memref<!tpu.dma_semaphore, #tpu.memory_space<semaphore_mem>>, %arg15: memref<!tpu.dma_semaphore, #tpu.memory_space<semaphore_mem>>, %arg16: memref<!tpu.dma_semaphore, #tpu.memory_space<semaphore_mem>>) attributes {dimension_semantics = [#tpu.dimension_semantics<core_parallel>, #tpu.dimension_semantics<subcore_parallel>], iteration_bounds = array<i64: 2, 16>, scalar_prefetch = 0 : i64, scratch_operands = 10 : i64, tpu.core_type = #tpu.core_type<sc_vector_subcore>, window_params = [{transform_indices = #map}, {transform_indices = #map}, {transform_indices = #map1}, {transform_indices = #map1}, {transform_indices = #map2}]} {
    %mul3A = arith.constant 2 : i32
    %mul3A_0 = arith.muli %arg1, %mul3A : i32
    %add3A = arith.addi %mul3A_0, %arg0 : i32
    %mul3A_1 = arith.constant 624 : i32
    %mul3A_2 = arith.muli %arg1, %mul3A_1 : i32
    "tpu.region"() ({
      %run_scoped3A = tpu.sem_alloc : memref<!tpu.dma_semaphore, #tpu.memory_space<semaphore_mem>>
      %dma_start3A_38 = arith.constant 0 : i32
      %dma_start3A_39 = tpu.memref_slice %arg12[%mul3A_2, %dma_start3A_38] : memref<10000x128xf32, #tpu.memory_space<vmem_shared>> -> memref<624x128xf32, #tpu.memory_space<vmem_shared>>
      %dma_start3A_40 = arith.constant 0 : i32
      %dma_start3A_41 = tpu.memref_slice %arg5[%mul3A_2, %dma_start3A_40] : memref<10000x128xf32, #tpu.memory_space<hbm>> -> memref<624x128xf32, #tpu.memory_space<hbm>>
      tpu.enqueue_dma source(%dma_start3A_41 : memref<624x128xf32, #tpu.memory_space<hbm>>) target(%dma_start3A_39 : memref<624x128xf32, #tpu.memory_space<vmem_shared>>) target_semaphore(%run_scoped3A : memref<!tpu.dma_semaphore, #tpu.memory_space<semaphore_mem>>)
      %dma_wait3A_42 = arith.constant 0 : i32
      %dma_wait3A_43 = tpu.memref_slice %arg12[%mul3A_2, %dma_wait3A_42] : memref<10000x128xf32, #tpu.memory_space<vmem_shared>> -> memref<624x128xf32, #tpu.memory_space<vmem_shared>>
      %dma_wait3A_44 = arith.constant 0 : i32
      %dma_wait3A_45 = tpu.memref_slice %arg5[%mul3A_2, %dma_wait3A_44] : memref<10000x128xf32, #tpu.memory_space<hbm>> -> memref<624x128xf32, #tpu.memory_space<hbm>>
      tpu.wait_dma2 semaphore(%run_scoped3A : memref<!tpu.dma_semaphore, #tpu.memory_space<semaphore_mem>>) src(%dma_wait3A_45 : memref<624x128xf32, #tpu.memory_space<hbm>>) dst(%dma_wait3A_43 : memref<624x128xf32, #tpu.memory_space<vmem_shared>>)
      tpu.yield
    }) : () -> ()
    %eq3A = arith.constant 15 : i32
    %eq3A_3 = arith.cmpi eq, %arg1, %eq3A : i32
    %convert_element_type3A = arith.extui %eq3A_3 : i1 to i32
    %cond3A = arith.constant 0 : i32
    %cond3A_4 = arith.cmpi ne, %convert_element_type3A, %cond3A : i32
    scf.if %cond3A_4 {
      "tpu.region"() ({
        %run_scoped3A = tpu.sem_alloc : memref<!tpu.dma_semaphore, #tpu.memory_space<semaphore_mem>>
        %dma_start3A_38 = arith.constant 9984 : i32
        %dma_start3A_39 = arith.constant 0 : i32
        %dma_start3A_40 = tpu.memref_slice %arg12[%dma_start3A_38, %dma_start3A_39] : memref<10000x128xf32, #tpu.memory_space<vmem_shared>> -> memref<16x128xf32, #tpu.memory_space<vmem_shared>>
        %dma_start3A_41 = arith.constant 9984 : i32
        %dma_start3A_42 = arith.constant 0 : i32
        %dma_start3A_43 = tpu.memref_slice %arg5[%dma_start3A_41, %dma_start3A_42] : memref<10000x128xf32, #tpu.memory_space<hbm>> -> memref<16x128xf32, #tpu.memory_space<hbm>>
        tpu.enqueue_dma source(%dma_start3A_43 : memref<16x128xf32, #tpu.memory_space<hbm>>) target(%dma_start3A_40 : memref<16x128xf32, #tpu.memory_space<vmem_shared>>) target_semaphore(%run_scoped3A : memref<!tpu.dma_semaphore, #tpu.memory_space<semaphore_mem>>)
        %dma_wait3A_44 = arith.constant 9984 : i32
        %dma_wait3A_45 = arith.constant 0 : i32
        %dma_wait3A_46 = tpu.memref_slice %arg12[%dma_wait3A_44, %dma_wait3A_45] : memref<10000x128xf32, #tpu.memory_space<vmem_shared>> -> memref<16x128xf32, #tpu.memory_space<vmem_shared>>
        %dma_wait3A_47 = arith.constant 9984 : i32
        %dma_wait3A_48 = arith.constant 0 : i32
        %dma_wait3A_49 = tpu.memref_slice %arg5[%dma_wait3A_47, %dma_wait3A_48] : memref<10000x128xf32, #tpu.memory_space<hbm>> -> memref<16x128xf32, #tpu.memory_space<hbm>>
        tpu.wait_dma2 semaphore(%run_scoped3A : memref<!tpu.dma_semaphore, #tpu.memory_space<semaphore_mem>>) src(%dma_wait3A_49 : memref<16x128xf32, #tpu.memory_space<hbm>>) dst(%dma_wait3A_46 : memref<16x128xf32, #tpu.memory_space<vmem_shared>>)
        tpu.yield
      }) : () -> ()
    } else {
    }
    %mul3A_5 = arith.constant 10000 : i32
    %mul3A_6 = arith.muli %add3A, %mul3A_5 : i32
    "tpu.region"() ({
      %run_scoped3A = tpu.sem_alloc : memref<!tpu.dma_semaphore, #tpu.memory_space<semaphore_mem>>
      %dma_start3A_38 = tpu.memref_slice %arg2[%mul3A_6] : memref<320000xi32, #tpu.memory_space<hbm>> -> memref<10000xi32, #tpu.memory_space<hbm>>
      %dma_start3A_39 = tpu.memref_slice %arg2[%mul3A_6] : memref<320000xi32, #tpu.memory_space<hbm>> -> memref<10000xi32, #tpu.memory_space<hbm>>
      tpu.enqueue_dma source(%dma_start3A_39 : memref<10000xi32, #tpu.memory_space<hbm>>) target(%arg7 : memref<10000xi32, #tpu.memory_space<vmem>>) target_semaphore(%run_scoped3A : memref<!tpu.dma_semaphore, #tpu.memory_space<semaphore_mem>>)
      %dma_wait3A_40 = tpu.memref_slice %arg2[%mul3A_6] : memref<320000xi32, #tpu.memory_space<hbm>> -> memref<10000xi32, #tpu.memory_space<hbm>>
      %dma_wait3A_41 = tpu.memref_slice %arg2[%mul3A_6] : memref<320000xi32, #tpu.memory_space<hbm>> -> memref<10000xi32, #tpu.memory_space<hbm>>
      tpu.wait_dma2 semaphore(%run_scoped3A : memref<!tpu.dma_semaphore, #tpu.memory_space<semaphore_mem>>) src(%dma_wait3A_41 : memref<10000xi32, #tpu.memory_space<hbm>>) dst(%arg7 : memref<10000xi32, #tpu.memory_space<vmem>>)
      tpu.yield
    }) : () -> ()
    %barrier3A = arith.constant 0 : index
    tpu.barrier barrier_id(%barrier3A)
    %dma_start3A = arith.constant 0 : i32
    %dma_start3A_7 = tpu.memref_slice %arg7[%dma_start3A] : memref<10000xi32, #tpu.memory_space<vmem>> -> memref<80xi32, #tpu.memory_space<vmem>>
    %dma_start3A_8 = arith.constant 0 : i32
    %dma_start3A_9 = arith.constant 0 : i32
    %dma_start3A_10 = tpu.memref_slice %arg4[%dma_start3A_8, %dma_start3A_9] : memref<10000x128xf32, #tpu.memory_space<hbm>> -> memref<10000x128xf32, #tpu.memory_space<hbm>>
    tpu.enqueue_indirect_dma source(%dma_start3A_10 : memref<10000x128xf32, #tpu.memory_space<hbm>>) target(%arg10 : memref<80x128xf32, #tpu.memory_space<vmem>>) offsets(%dma_start3A_7 : memref<80xi32, #tpu.memory_space<vmem>>) semaphore(%arg13 : memref<!tpu.dma_semaphore, #tpu.memory_space<semaphore_mem>>)
    %mul3A_11 = arith.constant 10000 : i32
    %mul3A_12 = arith.muli %add3A, %mul3A_11 : i32
    %add3A_13 = arith.constant 0 : i32
    %add3A_14 = arith.addi %mul3A_12, %add3A_13 : i32
    %dma_start3A_15 = tpu.memref_slice %arg3[%add3A_14] : memref<320000xi32, #tpu.memory_space<hbm>> -> memref<80xi32, #tpu.memory_space<hbm>>
    %dma_start3A_16 = tpu.memref_slice %arg3[%add3A_14] : memref<320000xi32, #tpu.memory_space<hbm>> -> memref<80xi32, #tpu.memory_space<hbm>>
    tpu.enqueue_dma source(%dma_start3A_16 : memref<80xi32, #tpu.memory_space<hbm>>) target(%arg8 : memref<80xi32, #tpu.memory_space<vmem>>) target_semaphore(%arg15 : memref<!tpu.dma_semaphore, #tpu.memory_space<semaphore_mem>>)
    %scan3A = arith.constant 0 : i32
    %scan3A_17 = arith.constant 0 : i32
    %scan3A_18 = arith.constant 62 : i32
    %scan3A_19 = arith.addi %scan3A_17, %scan3A_18 : i32
    %scan3A_20 = arith.constant 1 : i32
    scf.for %scan3A_38 = %scan3A_17 to %scan3A_19 step %scan3A_20  : i32 {
      %mul3A_39 = arith.constant 2 : i32
      %mul3A_40 = arith.muli %mul3A_39, %scan3A_38 : i32
      %add3A_41 = arith.constant 1 : i32
      %add3A_42 = arith.addi %mul3A_40, %add3A_41 : i32
      %mul3A_43 = arith.constant 80 : i32
      %mul3A_44 = arith.muli %add3A_42, %mul3A_43 : i32
      %dma_start3A_45 = tpu.memref_slice %arg7[%mul3A_44] : memref<10000xi32, #tpu.memory_space<vmem>> -> memref<80xi32, #tpu.memory_space<vmem>>
      %dma_start3A_46 = arith.constant 0 : i32
      %dma_start3A_47 = arith.constant 0 : i32
      %dma_start3A_48 = tpu.memref_slice %arg4[%dma_start3A_46, %dma_start3A_47] : memref<10000x128xf32, #tpu.memory_space<hbm>> -> memref<10000x128xf32, #tpu.memory_space<hbm>>
      tpu.enqueue_indirect_dma source(%dma_start3A_48 : memref<10000x128xf32, #tpu.memory_space<hbm>>) target(%arg11 : memref<80x128xf32, #tpu.memory_space<vmem>>) offsets(%dma_start3A_45 : memref<80xi32, #tpu.memory_space<vmem>>) semaphore(%arg14 : memref<!tpu.dma_semaphore, #tpu.memory_space<semaphore_mem>>)
      %mul3A_49 = arith.constant 10000 : i32
      %mul3A_50 = arith.muli %add3A, %mul3A_49 : i32
      %mul3A_51 = arith.constant 80 : i32
      %mul3A_52 = arith.muli %add3A_42, %mul3A_51 : i32
      %add3A_53 = arith.addi %mul3A_50, %mul3A_52 : i32
      %dma_start3A_54 = tpu.memref_slice %arg3[%add3A_53] : memref<320000xi32, #tpu.memory_space<hbm>> -> memref<80xi32, #tpu.memory_space<hbm>>
      %dma_start3A_55 = tpu.memref_slice %arg3[%add3A_53] : memref<320000xi32, #tpu.memory_space<hbm>> -> memref<80xi32, #tpu.memory_space<hbm>>
      tpu.enqueue_dma source(%dma_start3A_55 : memref<80xi32, #tpu.memory_space<hbm>>) target(%arg9 : memref<80xi32, #tpu.memory_space<vmem>>) target_semaphore(%arg16 : memref<!tpu.dma_semaphore, #tpu.memory_space<semaphore_mem>>)
      %mul3A_56 = arith.constant 80 : i32
      %mul3A_57 = arith.muli %mul3A_40, %mul3A_56 : i32
      %dma_wait3A_58 = tpu.memref_slice %arg7[%mul3A_57] : memref<10000xi32, #tpu.memory_space<vmem>> -> memref<80xi32, #tpu.memory_space<vmem>>
      %dma_wait3A_59 = arith.constant 0 : i32
      %dma_wait3A_60 = arith.constant 0 : i32
      %dma_wait3A_61 = tpu.memref_slice %arg4[%dma_wait3A_59, %dma_wait3A_60] : memref<10000x128xf32, #tpu.memory_space<hbm>> -> memref<10000x128xf32, #tpu.memory_space<hbm>>
      tpu.wait_indirect_dma semaphore(%arg13 : memref<!tpu.dma_semaphore, #tpu.memory_space<semaphore_mem>>) src(%dma_wait3A_61 : memref<10000x128xf32, #tpu.memory_space<hbm>>) dst(%arg10 : memref<80x128xf32, #tpu.memory_space<vmem>>)
      %mul3A_62 = arith.constant 10000 : i32
      %mul3A_63 = arith.muli %add3A, %mul3A_62 : i32
      %mul3A_64 = arith.constant 80 : i32
      %mul3A_65 = arith.muli %mul3A_40, %mul3A_64 : i32
      %add3A_66 = arith.addi %mul3A_63, %mul3A_65 : i32
      %dma_wait3A_67 = tpu.memref_slice %arg3[%add3A_66] : memref<320000xi32, #tpu.memory_space<hbm>> -> memref<80xi32, #tpu.memory_space<hbm>>
      %dma_wait3A_68 = tpu.memref_slice %arg3[%add3A_66] : memref<320000xi32, #tpu.memory_space<hbm>> -> memref<80xi32, #tpu.memory_space<hbm>>
      tpu.wait_dma2 semaphore(%arg15 : memref<!tpu.dma_semaphore, #tpu.memory_space<semaphore_mem>>) src(%dma_wait3A_68 : memref<80xi32, #tpu.memory_space<hbm>>) dst(%arg8 : memref<80xi32, #tpu.memory_space<vmem>>)
      "tpu.region"() ({
        %run_scoped3A = tpu.sem_alloc : memref<!tpu.dma_semaphore, #tpu.memory_space<semaphore_mem>>
        %dma_start3A_99 = arith.constant 0 : i32
        %dma_start3A_100 = arith.constant 0 : i32
        %dma_start3A_101 = tpu.memref_slice %arg12[%dma_start3A_99, %dma_start3A_100] : memref<10000x128xf32, #tpu.memory_space<vmem_shared>> -> memref<10000x128xf32, #tpu.memory_space<vmem_shared>>
        tpu.enqueue_indirect_dma source(%arg10 : memref<80x128xf32, #tpu.memory_space<vmem>>) target(%dma_start3A_101 : memref<10000x128xf32, #tpu.memory_space<vmem_shared>>) offsets(%arg8 : memref<80xi32, #tpu.memory_space<vmem>>) semaphore(%run_scoped3A : memref<!tpu.dma_semaphore, #tpu.memory_space<semaphore_mem>>) {add = true}
        %dma_wait3A_102 = arith.constant 0 : i32
        %dma_wait3A_103 = arith.constant 0 : i32
        %dma_wait3A_104 = tpu.memref_slice %arg12[%dma_wait3A_102, %dma_wait3A_103] : memref<10000x128xf32, #tpu.memory_space<vmem_shared>> -> memref<10000x128xf32, #tpu.memory_space<vmem_shared>>
        tpu.wait_indirect_dma semaphore(%run_scoped3A : memref<!tpu.dma_semaphore, #tpu.memory_space<semaphore_mem>>) src(%arg10 : memref<80x128xf32, #tpu.memory_space<vmem>>) dst(%dma_wait3A_104 : memref<10000x128xf32, #tpu.memory_space<vmem_shared>>)
        tpu.yield
      }) : () -> ()
      %add3A_69 = arith.constant 2 : i32
      %add3A_70 = arith.addi %mul3A_40, %add3A_69 : i32
      %mul3A_71 = arith.constant 80 : i32
      %mul3A_72 = arith.muli %add3A_70, %mul3A_71 : i32
      %dma_start3A_73 = tpu.memref_slice %arg7[%mul3A_72] : memref<10000xi32, #tpu.memory_space<vmem>> -> memref<80xi32, #tpu.memory_space<vmem>>
      %dma_start3A_74 = arith.constant 0 : i32
      %dma_start3A_75 = arith.constant 0 : i32
      %dma_start3A_76 = tpu.memref_slice %arg4[%dma_start3A_74, %dma_start3A_75] : memref<10000x128xf32, #tpu.memory_space<hbm>> -> memref<10000x128xf32, #tpu.memory_space<hbm>>
      tpu.enqueue_indirect_dma source(%dma_start3A_76 : memref<10000x128xf32, #tpu.memory_space<hbm>>) target(%arg10 : memref<80x128xf32, #tpu.memory_space<vmem>>) offsets(%dma_start3A_73 : memref<80xi32, #tpu.memory_space<vmem>>) semaphore(%arg13 : memref<!tpu.dma_semaphore, #tpu.memory_space<semaphore_mem>>)
      %mul3A_77 = arith.constant 10000 : i32
      %mul3A_78 = arith.muli %add3A, %mul3A_77 : i32
      %mul3A_79 = arith.constant 80 : i32
      %mul3A_80 = arith.muli %add3A_70, %mul3A_79 : i32
      %add3A_81 = arith.addi %mul3A_78, %mul3A_80 : i32
      %dma_start3A_82 = tpu.memref_slice %arg3[%add3A_81] : memref<320000xi32, #tpu.memory_space<hbm>> -> memref<80xi32, #tpu.memory_space<hbm>>
      %dma_start3A_83 = tpu.memref_slice %arg3[%add3A_81] : memref<320000xi32, #tpu.memory_space<hbm>> -> memref<80xi32, #tpu.memory_space<hbm>>
      tpu.enqueue_dma source(%dma_start3A_83 : memref<80xi32, #tpu.memory_space<hbm>>) target(%arg8 : memref<80xi32, #tpu.memory_space<vmem>>) target_semaphore(%arg15 : memref<!tpu.dma_semaphore, #tpu.memory_space<semaphore_mem>>)
      %add3A_84 = arith.constant 1 : i32
      %add3A_85 = arith.addi %mul3A_40, %add3A_84 : i32
      %mul3A_86 = arith.constant 80 : i32
      %mul3A_87 = arith.muli %add3A_85, %mul3A_86 : i32
      %dma_wait3A_88 = tpu.memref_slice %arg7[%mul3A_87] : memref<10000xi32, #tpu.memory_space<vmem>> -> memref<80xi32, #tpu.memory_space<vmem>>
      %dma_wait3A_89 = arith.constant 0 : i32
      %dma_wait3A_90 = arith.constant 0 : i32
      %dma_wait3A_91 = tpu.memref_slice %arg4[%dma_wait3A_89, %dma_wait3A_90] : memref<10000x128xf32, #tpu.memory_space<hbm>> -> memref<10000x128xf32, #tpu.memory_space<hbm>>
      tpu.wait_indirect_dma semaphore(%arg14 : memref<!tpu.dma_semaphore, #tpu.memory_space<semaphore_mem>>) src(%dma_wait3A_91 : memref<10000x128xf32, #tpu.memory_space<hbm>>) dst(%arg11 : memref<80x128xf32, #tpu.memory_space<vmem>>)
      %mul3A_92 = arith.constant 10000 : i32
      %mul3A_93 = arith.muli %add3A, %mul3A_92 : i32
      %mul3A_94 = arith.constant 80 : i32
      %mul3A_95 = arith.muli %add3A_85, %mul3A_94 : i32
      %add3A_96 = arith.addi %mul3A_93, %mul3A_95 : i32
      %dma_wait3A_97 = tpu.memref_slice %arg3[%add3A_96] : memref<320000xi32, #tpu.memory_space<hbm>> -> memref<80xi32, #tpu.memory_space<hbm>>
      %dma_wait3A_98 = tpu.memref_slice %arg3[%add3A_96] : memref<320000xi32, #tpu.memory_space<hbm>> -> memref<80xi32, #tpu.memory_space<hbm>>
      tpu.wait_dma2 semaphore(%arg16 : memref<!tpu.dma_semaphore, #tpu.memory_space<semaphore_mem>>) src(%dma_wait3A_98 : memref<80xi32, #tpu.memory_space<hbm>>) dst(%arg9 : memref<80xi32, #tpu.memory_space<vmem>>)
      "tpu.region"() ({
        %run_scoped3A = tpu.sem_alloc : memref<!tpu.dma_semaphore, #tpu.memory_space<semaphore_mem>>
        %dma_start3A_99 = arith.constant 0 : i32
        %dma_start3A_100 = arith.constant 0 : i32
        %dma_start3A_101 = tpu.memref_slice %arg12[%dma_start3A_99, %dma_start3A_100] : memref<10000x128xf32, #tpu.memory_space<vmem_shared>> -> memref<10000x128xf32, #tpu.memory_space<vmem_shared>>
        tpu.enqueue_indirect_dma source(%arg11 : memref<80x128xf32, #tpu.memory_space<vmem>>) target(%dma_start3A_101 : memref<10000x128xf32, #tpu.memory_space<vmem_shared>>) offsets(%arg9 : memref<80xi32, #tpu.memory_space<vmem>>) semaphore(%run_scoped3A : memref<!tpu.dma_semaphore, #tpu.memory_space<semaphore_mem>>) {add = true}
        %dma_wait3A_102 = arith.constant 0 : i32
        %dma_wait3A_103 = arith.constant 0 : i32
        %dma_wait3A_104 = tpu.memref_slice %arg12[%dma_wait3A_102, %dma_wait3A_103] : memref<10000x128xf32, #tpu.memory_space<vmem_shared>> -> memref<10000x128xf32, #tpu.memory_space<vmem_shared>>
        tpu.wait_indirect_dma semaphore(%run_scoped3A : memref<!tpu.dma_semaphore, #tpu.memory_space<semaphore_mem>>) src(%arg11 : memref<80x128xf32, #tpu.memory_space<vmem>>) dst(%dma_wait3A_104 : memref<10000x128xf32, #tpu.memory_space<vmem_shared>>)
        tpu.yield
      }) : () -> ()
    }
    %scan3A_21 = arith.constant 62 : i32
    %dma_wait3A = arith.constant 9920 : i32
    %dma_wait3A_22 = tpu.memref_slice %arg7[%dma_wait3A] : memref<10000xi32, #tpu.memory_space<vmem>> -> memref<80xi32, #tpu.memory_space<vmem>>
    %dma_wait3A_23 = arith.constant 0 : i32
    %dma_wait3A_24 = arith.constant 0 : i32
    %dma_wait3A_25 = tpu.memref_slice %arg4[%dma_wait3A_23, %dma_wait3A_24] : memref<10000x128xf32, #tpu.memory_space<hbm>> -> memref<10000x128xf32, #tpu.memory_space<hbm>>
    tpu.wait_indirect_dma semaphore(%arg13 : memref<!tpu.dma_semaphore, #tpu.memory_space<semaphore_mem>>) src(%dma_wait3A_25 : memref<10000x128xf32, #tpu.memory_space<hbm>>) dst(%arg10 : memref<80x128xf32, #tpu.memory_space<vmem>>)
    %mul3A_26 = arith.constant 10000 : i32
    %mul3A_27 = arith.muli %add3A, %mul3A_26 : i32
    %add3A_28 = arith.constant 9920 : i32
    %add3A_29 = arith.addi %mul3A_27, %add3A_28 : i32
    %dma_wait3A_30 = tpu.memref_slice %arg3[%add3A_29] : memref<320000xi32, #tpu.memory_space<hbm>> -> memref<80xi32, #tpu.memory_space<hbm>>
    %dma_wait3A_31 = tpu.memref_slice %arg3[%add3A_29] : memref<320000xi32, #tpu.memory_space<hbm>> -> memref<80xi32, #tpu.memory_space<hbm>>
    tpu.wait_dma2 semaphore(%arg15 : memref<!tpu.dma_semaphore, #tpu.memory_space<semaphore_mem>>) src(%dma_wait3A_31 : memref<80xi32, #tpu.memory_space<hbm>>) dst(%arg8 : memref<80xi32, #tpu.memory_space<vmem>>)
    "tpu.region"() ({
      %run_scoped3A = tpu.sem_alloc : memref<!tpu.dma_semaphore, #tpu.memory_space<semaphore_mem>>
      %dma_start3A_38 = arith.constant 0 : i32
      %dma_start3A_39 = arith.constant 0 : i32
      %dma_start3A_40 = tpu.memref_slice %arg12[%dma_start3A_38, %dma_start3A_39] : memref<10000x128xf32, #tpu.memory_space<vmem_shared>> -> memref<10000x128xf32, #tpu.memory_space<vmem_shared>>
      tpu.enqueue_indirect_dma source(%arg10 : memref<80x128xf32, #tpu.memory_space<vmem>>) target(%dma_start3A_40 : memref<10000x128xf32, #tpu.memory_space<vmem_shared>>) offsets(%arg8 : memref<80xi32, #tpu.memory_space<vmem>>) semaphore(%run_scoped3A : memref<!tpu.dma_semaphore, #tpu.memory_space<semaphore_mem>>) {add = true}
      %dma_wait3A_41 = arith.constant 0 : i32
      %dma_wait3A_42 = arith.constant 0 : i32
      %dma_wait3A_43 = tpu.memref_slice %arg12[%dma_wait3A_41, %dma_wait3A_42] : memref<10000x128xf32, #tpu.memory_space<vmem_shared>> -> memref<10000x128xf32, #tpu.memory_space<vmem_shared>>
      tpu.wait_indirect_dma semaphore(%run_scoped3A : memref<!tpu.dma_semaphore, #tpu.memory_space<semaphore_mem>>) src(%arg10 : memref<80x128xf32, #tpu.memory_space<vmem>>) dst(%dma_wait3A_43 : memref<10000x128xf32, #tpu.memory_space<vmem_shared>>)
      tpu.yield
    }) : () -> ()
    %barrier3A_32 = arith.constant 0 : index
    tpu.barrier barrier_id(%barrier3A_32)
    "tpu.region"() ({
      %run_scoped3A = tpu.sem_alloc : memref<!tpu.dma_semaphore, #tpu.memory_space<semaphore_mem>>
      %dma_start3A_38 = arith.constant 0 : i32
      %dma_start3A_39 = tpu.memref_slice %arg6[%arg0, %mul3A_2, %dma_start3A_38] : memref<2x10000x128xf32, #tpu.memory_space<hbm>> -> memref<1x624x128xf32, #tpu.memory_space<hbm>>
      %dma_start3A_40 = tpu.memref_squeeze %dma_start3A_39 : memref<1x624x128xf32, #tpu.memory_space<hbm>> -> memref<624x128xf32, #tpu.memory_space<hbm>>
      %dma_start3A_41 = arith.constant 0 : i32
      %dma_start3A_42 = tpu.memref_slice %arg12[%mul3A_2, %dma_start3A_41] : memref<10000x128xf32, #tpu.memory_space<vmem_shared>> -> memref<624x128xf32, #tpu.memory_space<vmem_shared>>
      tpu.enqueue_dma source(%dma_start3A_42 : memref<624x128xf32, #tpu.memory_space<vmem_shared>>) target(%dma_start3A_40 : memref<624x128xf32, #tpu.memory_space<hbm>>) target_semaphore(%run_scoped3A : memref<!tpu.dma_semaphore, #tpu.memory_space<semaphore_mem>>)
      %dma_wait3A_43 = arith.constant 0 : i32
      %dma_wait3A_44 = tpu.memref_slice %arg6[%arg0, %mul3A_2, %dma_wait3A_43] : memref<2x10000x128xf32, #tpu.memory_space<hbm>> -> memref<1x624x128xf32, #tpu.memory_space<hbm>>
      %dma_wait3A_45 = tpu.memref_squeeze %dma_wait3A_44 : memref<1x624x128xf32, #tpu.memory_space<hbm>> -> memref<624x128xf32, #tpu.memory_space<hbm>>
      %dma_wait3A_46 = arith.constant 0 : i32
      %dma_wait3A_47 = tpu.memref_slice %arg12[%mul3A_2, %dma_wait3A_46] : memref<10000x128xf32, #tpu.memory_space<vmem_shared>> -> memref<624x128xf32, #tpu.memory_space<vmem_shared>>
      tpu.wait_dma2 semaphore(%run_scoped3A : memref<!tpu.dma_semaphore, #tpu.memory_space<semaphore_mem>>) src(%dma_wait3A_47 : memref<624x128xf32, #tpu.memory_space<vmem_shared>>) dst(%dma_wait3A_45 : memref<624x128xf32, #tpu.memory_space<hbm>>)
      tpu.yield
    }) : () -> ()
    %eq3A_33 = arith.constant 15 : i32
    %eq3A_34 = arith.cmpi eq, %arg1, %eq3A_33 : i32
    %convert_element_type3A_35 = arith.extui %eq3A_34 : i1 to i32
    %cond3A_36 = arith.constant 0 : i32
    %cond3A_37 = arith.cmpi ne, %convert_element_type3A_35, %cond3A_36 : i32
    scf.if %cond3A_37 {
      "tpu.region"() ({
        %run_scoped3A = tpu.sem_alloc : memref<!tpu.dma_semaphore, #tpu.memory_space<semaphore_mem>>
        %dma_start3A_38 = arith.constant 9984 : i32
        %dma_start3A_39 = arith.constant 0 : i32
        %dma_start3A_40 = tpu.memref_slice %arg6[%arg0, %dma_start3A_38, %dma_start3A_39] : memref<2x10000x128xf32, #tpu.memory_space<hbm>> -> memref<1x16x128xf32, #tpu.memory_space<hbm>>
        %dma_start3A_41 = tpu.memref_squeeze %dma_start3A_40 : memref<1x16x128xf32, #tpu.memory_space<hbm>> -> memref<16x128xf32, #tpu.memory_space<hbm>>
        %dma_start3A_42 = arith.constant 9984 : i32
        %dma_start3A_43 = arith.constant 0 : i32
        %dma_start3A_44 = tpu.memref_slice %arg12[%dma_start3A_42, %dma_start3A_43] : memref<10000x128xf32, #tpu.memory_space<vmem_shared>> -> memref<16x128xf32, #tpu.memory_space<vmem_shared>>
        tpu.enqueue_dma source(%dma_start3A_44 : memref<16x128xf32, #tpu.memory_space<vmem_shared>>) target(%dma_start3A_41 : memref<16x128xf32, #tpu.memory_space<hbm>>) target_semaphore(%run_scoped3A : memref<!tpu.dma_semaphore, #tpu.memory_space<semaphore_mem>>)
        %dma_wait3A_45 = arith.constant 9984 : i32
        %dma_wait3A_46 = arith.constant 0 : i32
        %dma_wait3A_47 = tpu.memref_slice %arg6[%arg0, %dma_wait3A_45, %dma_wait3A_46] : memref<2x10000x128xf32, #tpu.memory_space<hbm>> -> memref<1x16x128xf32, #tpu.memory_space<hbm>>
        %dma_wait3A_48 = tpu.memref_squeeze %dma_wait3A_47 : memref<1x16x128xf32, #tpu.memory_space<hbm>> -> memref<16x128xf32, #tpu.memory_space<hbm>>
        %dma_wait3A_49 = arith.constant 9984 : i32
        %dma_wait3A_50 = arith.constant 0 : i32
        %dma_wait3A_51 = tpu.memref_slice %arg12[%dma_wait3A_49, %dma_wait3A_50] : memref<10000x128xf32, #tpu.memory_space<vmem_shared>> -> memref<16x128xf32, #tpu.memory_space<vmem_shared>>
        tpu.wait_dma2 semaphore(%run_scoped3A : memref<!tpu.dma_semaphore, #tpu.memory_space<semaphore_mem>>) src(%dma_wait3A_51 : memref<16x128xf32, #tpu.memory_space<vmem_shared>>) dst(%dma_wait3A_48 : memref<16x128xf32, #tpu.memory_space<hbm>>)
        tpu.yield
      }) : () -> ()
    } else {
    }
    return
  }
}

</mosaic_0001>

<sc_bundles>
// kernel: _sc_agg.3.cloned.1.call-start
scs
__scs_entry_jumppad:
0x0: {  	(pc) =	sbr.rel $0x88, $3  }
0x1: {  	(tag) =	ssettag $0x0;
	lr =	simm.s32 $0x1  }
0x2: {  	[smem:$0x3F9D] =	sst lr;
	_ =	strace $0xD0000000  }
0x3: {  	_ = 	snop  }
0x4: {  	_ = 	snop  }
0x5: {  	_ = 	snop  }
0x6: {  	_ = 	snop  }
0x7: {  	_ = 	snop  }
__scs_overlays_trampoline_lowered:
0x8: {  	[smem:$0x3FAC] =	sst s0  }
0x9: {  	[smem:$0x3FAD] =	sst s1  }
0xa: {  	[smem:$0x3FAE] =	sst s2  }
0xb: {  	[smem:$0x3FAF] =	sst s3  }
0xc: {  	[smem:$0x3FB0] =	sst s4  }
0xd: {  	[smem:$0x3FB1] =	sst s5  }
0xe: {  	[smem:$0x3FB2] =	sst s6  }
0xf: {  	[smem:$0x3FB3] =	sst s7  }
0x10: {  	[smem:$0x3FB4] =	sst s8  }
0x11: {  	[smem:$0x3FB5] =	sst s9;
	s0 =	simm.s32 @!p0 $0x0  }
0x12: {  	s1 =	sld [smem:$0x3F9B];
	s0 =	simm.s32 @p0 $0x1  }
0x13: {  	[smem:$0x3FB6] =	sst s0;
	s0 =	simm.s32 @!p1 $0x0  }
0x14: {  	s2 =	sld [smem:$0x3F9A];
	s0 =	simm.s32 @p1 $0x1  }
0x15: {  	[smem:$0x3FB7] =	sst s0;
	s0 =	simm.s32 @!p2 $0x0  }
0x16: {  	s3 =	sld [smem:$0x3FDB];
	s0 =	simm.s32 @p2 $0x1  }
0x17: {  	s4 =	simm.s32 $0x1BF5;
	[smem:$0x3FB9] =	sst s0  }
0x18: {  	s0 =	sld [smem:$0x3F9C];
	_ =	swait.ge [sflag:s4], $0x0  }
0x19: {  	s7 =	sld [smem:$0x3F9D]  }
0x1a: {  	s8 =	sadd.s32 $0xFFFFE003, lr  }
0x1b: {  	s9 =	sadd.s32 $0xFFFFFEF7, lr;
	s5 =	simm.s32 $0xFFFFFFFF;
	p2 =	slt.u32 s8, $0xFFFFF086  }
0x1c: {  	p1 =	slt.u32 s9, $0xF7A;
	s5 =	simm.s32 @!p2 $0x0  }
0x1d: {  	s5 =	simm.s32 @p1 $0x1;
	p0 =	seq.s32 s7, s2  }
0x1e: {  	s7 =	smul.u32 @!p0 $0xF7A, s2;
	p2 =	seq.s32 @!p0 s5, $0x0  }
0x1f: {  	s9 =	smul.u32 $0xF7A, s1;
	s8 =	simm.s32 @!p0 $0x1BF5;
	p2 =	por !p2, p0  }
0x20: {  	[sflag:s8] =	ssyncset.s32 @!p0 $0xFFFFF086;
	s6 =	sadd.s32 @!p0 s3, s7;
	s7 =	simm.s32 @!p0 $0x108  }
0x21: {  	s3 =	sadd.s32 s3, s9;
	s6 =	sadd.s32 @!p0 $0x88, s6;
	s7 =	simm.s32 @p2 $0x1082  }
0x22: {  	[simem:s7], [sflag:s8] =	dma.local @!p0 [hbm:s6], $0xF7A  }
0x23: {  	s9 =	sor.u32 $0xD0000000, s2;
	s6 =	simm.s32 $0x108;
	_ =	swait.ge @!p0 [sflag:s8], $0x0  }
0x24: {  	s3 =	sadd.s32 $0x88, s3;
	s6 =	simm.s32 @!p1 $0x1082;
	[sflag:s4] =	ssyncset.s32 $0xFFFFF086  }
0x25: {  	[simem:s6], [sflag:s4] =	dma.local [hbm:s3], $0xF7A  }
0x26: {  	[smem:$0x3F9D] =	sst s1;
	(tag) =	ssettag s2;
	_ =	strace s9  }
0x27: {  	s1 =	sld [smem:$0x3FAD]  }
0x28: {  	s2 =	sld [smem:$0x3FAE]  }
0x29: {  	s4 =	sld [smem:$0x3FB0]  }
0x2a: {  	p0 =	seq.s32 s5, $0x0;
	s5 =	sld [smem:$0x3FB1]  }
0x2b: {  	s6 =	sld [smem:$0x3FB2]  }
0x2c: {  	s7 =	sld [smem:$0x3FB3]  }
0x2d: {  	s3 =	simm.s32 $0x108;
	s8 =	sld [smem:$0x3FB4]  }
0x2e: {  	s3 =	simm.s32 @!p0 $0x1082;
	s9 =	sld [smem:$0x3FB5]  }
0x2f: {  	lr =	sadd.s32 s0, s3;
	s0 =	sld [smem:$0x3FAC]  }
0x30: {  	s3 =	sld [smem:$0x3FAF]  }
0x31: {  	[smem:$0x3FB8] =	sst s10  }
0x32: {  	s10 =	sld [smem:$0x3FB6];
	_ =	sdelay $0x3  }
0x33: {  	p0 =	seq.s32 s10, $0x1;
	s10 =	sld [smem:$0x3FB8];
	_ =	sdelay $0x3  }
0x34: {  	[smem:$0x3FB8] =	sst s10  }
0x35: {  	s10 =	sld [smem:$0x3FB7];
	_ =	sdelay $0x3  }
0x36: {  	p1 =	seq.s32 s10, $0x1;
	s10 =	sld [smem:$0x3FB8];
	_ =	sdelay $0x3  }
0x37: {  	[smem:$0x3FB8] =	sst s10  }
0x38: {  	s10 =	sld [smem:$0x3FB9]  }
0x39: {  	_ = 	snop;
	(pc) =	sbr.ind lr, $3  }
0x3a: {  	_ = 	snop  }
0x3b: {  	_ = 	snop  }
0x3c: {  	p2 =	seq.s32 s10, $0x1;
	s10 =	sld [smem:$0x3FB8]  }
0x3d: {  	_ =	shalt  }
0x3e: {  	_ =	shalt  }
0x3f: {  	_ =	shalt  }
0x40: {  	_ =	shalt  }
0x41: {  	_ =	shalt  }
0x42: {  	_ =	shalt  }
0x43: {  	_ =	shalt  }
0x44: {  	_ =	shalt  }
0x45: {  	_ =	shalt  }
0x46: {  	_ =	shalt  }
0x47: {  	_ =	shalt  }
0x48: {  	_ =	shalt  }
0x49: {  	_ =	shalt  }
0x4a: {  	_ =	shalt  }
0x4b: {  	_ =	shalt  }
0x4c: {  	_ =	shalt  }
0x4d: {  	_ =	shalt  }
0x4e: {  	_ =	shalt  }
0x4f: {  	_ =	shalt  }
0x50: {  	_ =	shalt  }
0x51: {  	_ =	shalt  }
0x52: {  	_ =	shalt  }
0x53: {  	_ =	shalt  }
0x54: {  	_ =	shalt  }
0x55: {  	_ =	shalt  }
0x56: {  	_ =	shalt  }
0x57: {  	_ =	shalt  }
0x58: {  	_ =	shalt  }
0x59: {  	_ =	shalt  }
0x5a: {  	_ =	shalt  }
0x5b: {  	_ =	shalt  }
0x5c: {  	_ =	shalt  }
0x5d: {  	_ =	shalt  }
0x5e: {  	_ =	shalt  }
0x5f: {  	_ =	shalt  }
0x60: {  	_ =	shalt  }
0x61: {  	_ =	shalt  }
0x62: {  	_ =	shalt  }
0x63: {  	_ =	shalt  }
0x64: {  	_ =	shalt  }
0x65: {  	_ =	shalt  }
0x66: {  	_ =	shalt  }
0x67: {  	_ =	shalt  }
0x68: {  	_ =	shalt  }
0x69: {  	_ =	shalt  }
0x6a: {  	_ =	shalt  }
0x6b: {  	_ =	shalt  }
0x6c: {  	_ =	shalt  }
0x6d: {  	_ =	shalt  }
0x6e: {  	_ =	shalt  }
0x6f: {  	_ =	shalt  }
0x70: {  	_ =	shalt  }
0x71: {  	_ =	shalt  }
0x72: {  	_ =	shalt  }
0x73: {  	_ =	shalt  }
0x74: {  	_ =	shalt  }
0x75: {  	_ =	shalt  }
0x76: {  	_ =	shalt  }
0x77: {  	_ =	shalt  }
0x78: {  	_ =	shalt  }
0x79: {  	_ =	shalt  }
0x7a: {  	_ =	shalt  }
0x7b: {  	_ =	shalt  }
0x7c: {  	_ =	shalt  }
0x7d: {  	_ =	shalt  }
0x7e: {  	_ =	shalt  }
0x7f: {  	_ =	shalt  }
0x80: {  	_ =	shalt  }
0x81: {  	_ =	shalt  }
0x82: {  	_ =	shalt  }
0x83: {  	_ =	shalt  }
0x84: {  	_ =	shalt  }
0x85: {  	_ =	shalt  }
0x86: {  	_ =	shalt  }
0x87: {  	_ =	shalt  }
.Lfunc_end0:
.L_simem_size_0:
called_computation_lowered:
.L_overlay_start_0:
0x88: {  	s2 =	sld [smem:$0x3FD9]  }
0x89: {  	s3 =	sld [smem:$0x3FFE];
	_ =	sdelay $0x1  }
0x8a: {  	s1 =	srdreg.scid  }
0x8b: {  	s0 =	sand.u32 $0x1, s1  }
0x8c: {  	s18 =	sshll.u32 s0, $0xA;
	s2 =	sadd.s32 s3, s2  }
0x8d: {  	s2 =	sadd.s32 s2, s18  }
0x8e: {  	[smem:$0x3FC4] =	sst s2  }
0x8f: {  	_ = 	snop  }
0x90: {  	s2 =	sld [smem:$0x3FC9]  }
0x91: {  	s19 =	sld [smem:$0x3FC8]  }
0x92: {  	s4 =	sld [smem:$0x3FC7]  }
0x93: {  	s5 =	sld [smem:$0x3FC6]  }
0x94: {  	s6 =	sld [smem:$0x3FD0];
	(tm) =	ssettm $0x1  }
0x95: {  	s7 =	sld [smem:$0x3FFB];
	_ =	sdelay $0x3  }
0x96: {  	_ =	strace s7  }
0x97: {  	s7 =	sld [smem:$0x3FFC];
	_ =	sdelay $0x3  }
0x98: {  	_ =	strace s7  }
0x99: {  	s7 =	sld [smem:$0x3FFD];
	_ =	sdelay $0x3  }
0x9a: {  	_ =	strace s7  }
0x9b: {  	_ =	strace $0x8FFFFFFF  }
0x9c: {  	s20 =	sld [smem:$0x3FDB];
	_ =	sdelay $0x1  }
0x9d: {  	s8 =	simm.s32 $_scs_section_size  }
0x9e: {  	s9 =	simm.s32 $_size__tile_overlayer_lowered;
	s10 =	simm.s32 $_tile_overlayer_lowered  }
0x9f: {  	s23 =	simm.s32 $0x1BFF;
	s22 =	sshll.u32 s10, $0x1;
	s7 =	sadd.s32 s8, s20  }
0xa0: {  	s11 =	simm.s32 $0x0;
	s21 =	sshll.u32 s9, $0x1;
	s9 =	sadd.s32 s22, s7  }
0xa1: {  	[timem:s11], [sflag:s23] =	dma.local [hbm:s9], s21  }
0xa2: {  	_ =	swait.ge [sflag:s23], s21  }
0xa3: {  	s8 =	ssub.s32 $0x0, s21;
	[sflag:s23] =	ssyncset.done $0x0  }
0xa4: {  	[sflag:s23] =	ssyncadd.s32 s8;
	_ =	sdelay $0x1  }
0xa5: {  	s24 =	simm.s32 $0x1B8B  }
0xa6: {  	_ =	swait.ge [sflag:s24], $0x1  }
0xa7: {  	[sflag:s24] =	ssyncset.done $0x0  }
0xa8: {  	s25 =	simm.s32 $0x1B8E;
	[sflag:s24] =	ssyncadd.s32 $0xFFFFFFFF  }
0xa9: {  	s26 =	simm.s32 $execute0_lowered;
	[smem:$0x3FD2] =	sst s25  }
0xaa: {  	s8 =	sshll.u32 s26, $0x1;
	_ =	strace $0x80000046;
	[dreg:$0x1] =	wrdreg $0xFFFFFFFF  }
0xab: {  	s28 =	simm.s32 $_size_execute0_lowered;
	s7 =	sadd.s32 s7, s8;
	[dreg:$0x0] =	wrdreg $0x0  }
0xac: {  	s8 =	sshll.u32 s28, $0x1;
	[dreg:$0x2] =	wrdreg s7  }
0xad: {  	[dreg:$0x3] =	wrdreg s8  }
0xae: {  	[dreg:$0x4] =	wrdreg $0xC0  }
0xaf: {  	_ =	task [dreg:s11], $0x5FFFF  }
0xb0: {  	[dreg:$0x1] =	wrdreg $0xFFFFFFFF  }
0xb1: {  	[dreg:$0x0] =	wrdreg $0x60  }
0xb2: {  	[dreg:$0x2] =	wrdreg s2  }
0xb3: {  	[dreg:$0x3] =	wrdreg s19  }
0xb4: {  	[dreg:$0x4] =	wrdreg s4  }
0xb5: {  	[dreg:$0x5] =	wrdreg s5  }
0xb6: {  	[dreg:$0x6] =	wrdreg s6  }
0xb7: {  	[dreg:$0x7] =	wrdreg $0x78800  }
0xb8: {  	[dreg:$0x8] =	wrdreg $0x9  }
0xb9: {  	_ =	task.clear_ibuf [dreg:s11], $0x9FFFF;
	_ =	strace $0x90000046  }
0xba: {  	s29 =	simm.s32 $0x9;
	_ =	strace $0x80000048  }
0xbb: {  	_ =	swait.ge [sflag:s29], $0x1  }
0xbc: {  	[sflag:s29] =	ssyncadd.s32 $0xFFFFFFFF  }
0xbd: {  	_ =	strace $0x90000048  }
0xbe: {  	_ =	sfence  }
0xbf: {  	s30 =	sld [smem:$0x0];
	_ =	sdelay $0x2  }
0xc0: {  	s31 =	sshll.u32 s1, $0xD;
	s1 =	sshrl.u32 s1, $0x2  }
0xc1: {  	s3 =	sand.u32 $0x4000, s31;
	s1 =	sadd.s32 s1, s30  }
0xc2: {  	s0 =	sor.u32 s3, s0;
	s1 =	sshll.u32 s1, $0x11  }
0xc3: {  	s0 =	sor.u32 s1, s0  }
0xc4: {  	s0 =	sadd.s32 $0x8F2B, s0  }
0xc5: {  	[sflag:s0] =	ssyncadd.remote.s32 $0x1  }
0xc6: {  	_ =	sfence.sel $0xFFFF  }
0xc7: {  	[dreg:$0x0] =	wrdreg $0xFFFFFFFF;
	(pc) =	sbr.abs _section_cstart, $3  }
0xc8: {  	[dreg:$0x1] =	wrdreg $0xFFFFFFFF  }
0xc9: {  	_ =	task.clear_ibuf [dreg:s11], $0x2FFFF;
	_ =	strace $0x9FFFFFFF  }
0xca: {  	(tm) =	ssettm $0x7FFFFFFF  }
0xcb: {  	_ =	shalt  }
tec
execute0_lowered:
.L_overlay_start_1:
0x0: {  	(tag) =	ssettag $0x1  }
0x1: {  	s0 =	rddreg [dreg:$0x0]  }
0x2: {  	s1 =	rddreg [dreg:$0x1]  }
0x3: {  	s2 =	rddreg [dreg:$0x2]  }
0x4: {  	s3 =	rddreg [dreg:$0x3]  }
0x5: {  	s11 =	rddreg [dreg:$0x4]  }
0x6: {  	s4 =	rddreg [dreg:$0x5];
	s6 =	srdreg.scid;
	s5 =	simm.s32 $0x0  }
0x7: {  	s19 =	stileid.u32;
	s28 =	simm.s32 $0x4;
	s29 =	simm.s32 $0x0  }
0x8: {  	s10 =	sand.u32 $0x1, s6;
	[smem:$0x7FF] =	sst s5;
	s7 =	smul.u32 $0x4E000, s19  }
0x9: {  	s9 =	sshll.u32 s19, $0x1;
	s12 =	smul.u32 $0x13800, s19;
	s22 =	sshll.u32 s19, $0x6  }
0xa: {  	s18 =	sadd.s32 $0x138000, s4;
	s17 =	smul.u32 $0x4E20, s19;
	p0 =	sne.s32 s19, $0xF  }
0xb: {  	s19 =	simm.s32 $0x50;
	s6 =	ssub.s32 $0x2, s10;
	s14 =	smul.u32 $0x138800, s10  }
0xc: {  	_ =	strace $0x80000047;
	s20 =	sor.u32 s10, s9;
	s24 =	smul.u32 $0x2710, s10  }
0xd: {  	s18 =	sshrl.u32 @!p0 s18, $0x3;
	s8 =	sshrl.u32 s6, $0x1;
	s7 =	sshrl.u32 s7, $0x2  }
0xe: {  	s21 =	sshrl.u32 s12, $0x3;
	s9 =	smul.u32 $0x2710, s20;
	s20 =	simm.s32 $0x2880  }
0xf: {  	s13 =	ssub.s32 s6, s8;
	s16 =	sadd.s32 s7, s4;
	s23 =	sadd.s32 s3, s21  }
0x10: {  	s7 =	sor.u32 $0x1C05, s22;
	s3 =	sadd.s32 $0x27000, s3;
	s25 =	sadd.s32 s12, s14  }
0x11: {  	s26 =	sshrl.u32 s14, $0x3;
	s21 =	simm.s32 $0x2780;
	[dreg:$0x7] =	wrdreg s23  }
0x12: {  	s22 =	simm.s32 $0x5080;
	s15 =	sshrl.u32 s9, $0x3;
	[dreg:$0x8] =	wrdreg s3  }
0x13: {  	s3 =	sshrl.u32 s25, $0x3;
	s12 =	sadd.s32 s11, s26;
	s13 =	smax.u32 s13, $0x1  }
0x14: {  	s16 =	sshrl.u32 s16, $0x3;
	s23 =	simm.s32 $0x2800;
	s25 =	simm.s32 $0x3  }
0x15: {  	s26 =	simm.s32 $0x2;
	s9 =	sadd.s32 s0, s15;
	s0 =	sadd.s32 s24, s17  }
0x16: {  	s10 =	sadd.s32 s1, s15;
	s11 =	sadd.s32 s11, s3;
	s30 =	sadd.s32 $0x50, s0  }
0x17: {  	s12 =	sadd.s32 $0x27000, s12;
	s17 =	simm.s32 $0x5;
	s31 =	sshrl.u32 s30, $0x3  }
0x18: {  	s24 =	simm.s32 $0x1;
	s14 =	sadd.s32 $0xA0, s0;
	s15 =	sadd.s32 s31, s1  }
.LBB2_1:
0x19: {  	s0 =	rddreg [dreg:$0x7]  }
0x1a: {  	[spmem:s16], [sflag:s7] =	dma.local [hbm:s0], $0x2700  }
0x1b: {  	_ =	swait.ge [sflag:s17], $0x2700  }
0x1c: {  	[sflag:s17] =	ssyncset.done $0x0  }
0x1d: {  	s0 =	rddreg [dreg:$0x8];
	[sflag:s17] =	ssyncadd.s32 $0xFFFFD900  }
0x1e: {  	[spmem:s18], [sflag:s7] =	dma.local @!p0 [hbm:s0], $0x100  }
0x1f: {  	s0 =	simm.s32 @!p0 $0x5  }
0x20: {  	_ =	swait.ge @!p0 [sflag:s0], $0x100  }
0x21: {  	[sflag:s0] =	ssyncset.done @!p0 $0x0  }
0x22: {  	[sflag:s0] =	ssyncadd.s32 @!p0 $0xFFFFFF00  }
0x23: {  	[tilespmem:s5], [sflag:$0x5] =	stream.linear.gather [hbm4b:s9+s5], $0x2710, $0x38;
	[tilespmem:$0x1B100] =	vst v63  }
0x24: {  	_ =	swait.ge [sflag:s17], $0x2710  }
0x25: {  	[sflag:s17] =	ssyncset.done $0x0  }
0x26: {  	[sflag:s17] =	ssyncadd.s32 $0xFFFFD8F0  }
0x27: {  	[bflag:$0x0] =	sbarrier.arrive $0xFFFF  }
0x28: {  	[tilespmem:s20], [sflag:$0x1] =	stream.indirect.gather [hbm4b:s2+s19], $0x80, s5, s19, $0xb8;
	[tilespmem:$0x1B100] =	vst v63  }
0x29: {  	_ = 	snop  }
0x2a: {  	[tilespmem:s21], [sflag:$0x3] =	stream.linear.gather [hbm4b:s10+s5], $0x50, $0x38;
	[tilespmem:$0x1B100] =	vst v63  }
0x2b: {  	s8 =	simm.s32 $0x50  }
0x2c: {  	[tilespmem:s22], [sflag:$0x2] =	stream.indirect.gather [hbm4b:s2+s19], $0x80, s8, s19, $0xb8;
	[tilespmem:$0x1B100] =	vst v63  }
0x2d: {  	s3 =	sadd.s32 $0x0, s15  }
0x2e: {  	[tilespmem:s23], [sflag:$0x4] =	stream.linear.gather [hbm4b:s3+s5], $0x50, $0x38;
	[tilespmem:$0x1B100] =	vst v63  }
0x2f: {  	_ =	swait.ge [sflag:s24], $0x2800  }
0x30: {  	[sflag:s24] =	ssyncset.done $0x0  }
0x31: {  	[sflag:s24] =	ssyncadd.s32 $0xFFFFD800  }
0x32: {  	_ =	swait.ge [sflag:s25], $0x50  }
0x33: {  	[sflag:s25] =	ssyncset.done $0x0  }
0x34: {  	[sflag:s25] =	ssyncadd.s32 $0xFFFFFFB0  }
0x35: {  	[spmem:s4] =	stream.indirect.scatter.add.f32 [tilespmem:s20], [sflag:$0x5], $0x80, s21, s19, $0xb8;
	[tilespmem:$0x1B100] =	vst v63  }
0x36: {  	_ =	swait.ge [sflag:s17], $0x2800  }
0x37: {  	[sflag:s17] =	ssyncset.done $0x0  }
0x38: {  	s6 =	simm.s32 $0xA0;
	s3 =	sshrl.u32 s14, $0x3;
	[sflag:s17] =	ssyncadd.s32 $0xFFFFD800  }
0x39: {  	[tilespmem:s20], [sflag:$0x1] =	stream.indirect.gather [hbm4b:s2+s19], $0x80, s6, s19, $0xb8;
	[tilespmem:$0x1B100] =	vst v63  }
0x3a: {  	s8 =	sadd.s32 s1, s3  }
0x3b: {  	[tilespmem:s21], [sflag:$0x3] =	stream.linear.gather [hbm4b:s8+s5], $0x50, $0x38;
	[tilespmem:$0x1B100] =	vst v63  }
0x3c: {  	_ =	swait.ge [sflag:s26], $0x2800  }
0x3d: {  	[sflag:s26] =	ssyncset.done $0x0  }
0x3e: {  	[sflag:s26] =	ssyncadd.s32 $0xFFFFD800  }
0x3f: {  	_ =	swait.ge [sflag:s28], $0x50  }
0x40: {  	[sflag:s28] =	ssyncset.done $0x0  }
0x41: {  	[sflag:s28] =	ssyncadd.s32 $0xFFFFFFB0  }
0x42: {  	[spmem:s4] =	stream.indirect.scatter.add.f32 [tilespmem:s22], [sflag:$0x5], $0x80, s23, s19, $0xb8;
	[tilespmem:$0x1B100] =	vst v63  }
0x43: {  	s30 =	simm.s32 $0x140;
	s31 =	smov.u32 s14;
	_ =	swait.ge [sflag:s17], $0x2800  }
0x44: {  	s0 =	simm.s32 $0x14;
	s3 =	simm.s32 $0x28;
	[sflag:s17] =	ssyncset.done $0x0  }
.LBB2_2:
0x45: {  	s6 =	sadd.s32 $0xFFFFFFB0, s30  }
0x46: {  	[sflag:s17] =	ssyncadd.s32 $0xFFFFD800;
	s31 =	sadd.s32 $0xA0, s31;
	s8 =	smov.u32 s3  }
0x47: {  	[tilespmem:s22], [sflag:$0x2] =	stream.indirect.gather [hbm4b:s2+s19], $0x80, s6, s19, $0xb8;
	[tilespmem:$0x1B100] =	vst v63  }
0x48: {  	p1 =	sne.s32 s3, $0x4C4;
	s3 =	sadd.s32 $0x14, s3;
	s0 =	sadd.s32 s0, s15  }
0x49: {  	[tilespmem:s23], [sflag:$0x4] =	stream.linear.gather [hbm4b:s0+s5], $0x50, $0x38;
	[tilespmem:$0x1B100] =	vst v63  }
0x4a: {  	s0 =	smov.u32 s8;
	_ =	swait.ge [sflag:s24], $0x2800  }
0x4b: {  	[sflag:s24] =	ssyncset.done $0x0  }
0x4c: {  	[sflag:s24] =	ssyncadd.s32 $0xFFFFD800  }
0x4d: {  	_ =	swait.ge [sflag:s25], $0x50  }
0x4e: {  	[sflag:s25] =	ssyncset.done $0x0  }
0x4f: {  	[sflag:s25] =	ssyncadd.s32 $0xFFFFFFB0  }
0x50: {  	[spmem:s4] =	stream.indirect.scatter.add.f32 [tilespmem:s20], [sflag:$0x5], $0x80, s21, s19, $0xb8;
	[tilespmem:$0x1B100] =	vst v63  }
0x51: {  	_ =	swait.ge [sflag:s17], $0x2800  }
0x52: {  	[sflag:s17] =	ssyncset.done $0x0  }
0x53: {  	s6 =	sshrl.u32 s31, $0x3;
	[sflag:s17] =	ssyncadd.s32 $0xFFFFD800  }
0x54: {  	[tilespmem:s20], [sflag:$0x1] =	stream.indirect.gather [hbm4b:s2+s19], $0x80, s30, s19, $0xb8;
	[tilespmem:$0x1B100] =	vst v63  }
0x55: {  	s6 =	sadd.s32 s1, s6  }
0x56: {  	[tilespmem:s21], [sflag:$0x3] =	stream.linear.gather [hbm4b:s6+s5], $0x50, $0x38;
	[tilespmem:$0x1B100] =	vst v63  }
0x57: {  	_ =	swait.ge [sflag:s26], $0x2800  }
0x58: {  	[sflag:s26] =	ssyncset.done $0x0  }
0x59: {  	[sflag:s26] =	ssyncadd.s32 $0xFFFFD800  }
0x5a: {  	_ =	swait.ge [sflag:s28], $0x50  }
.Ltmp0:
0x5b: {  	[sflag:s28] =	ssyncset.done $0x0;
	(pc) =	sbr.rel @p1 .LBB2_2-.Ltmp0, $4  }
0x5c: {  	[sflag:s28] =	ssyncadd.s32 $0xFFFFFFB0  }
0x5d: {  	[spmem:s4] =	stream.indirect.scatter.add.f32 [tilespmem:s22], [sflag:$0x5], $0x80, s23, s19, $0xb8;
	[tilespmem:$0x1B100] =	vst v63  }
0x5e: {  	_ =	swait.ge [sflag:s17], $0x2800  }
0x5f: {  	s30 =	sadd.s32 $0xA0, s30;
	[sflag:s17] =	ssyncset.done $0x0  }
0x60: {  	s3 =	sadd.s32 $0xFFFFFFB0, s30;
	[sflag:s17] =	ssyncadd.s32 $0xFFFFD800  }
0x61: {  	[tilespmem:s22], [sflag:$0x2] =	stream.indirect.gather [hbm4b:s2+s19], $0x80, s3, s19, $0xb8;
	[tilespmem:$0x1B100] =	vst v63  }
0x62: {  	s0 =	sadd.s32 s0, s15  }
0x63: {  	[tilespmem:s23], [sflag:$0x4] =	stream.linear.gather [hbm4b:s0+s5], $0x50, $0x38;
	[tilespmem:$0x1B100] =	vst v63  }
0x64: {  	_ =	swait.ge [sflag:s24], $0x2800  }
0x65: {  	[sflag:s24] =	ssyncset.done $0x0  }
0x66: {  	[sflag:s24] =	ssyncadd.s32 $0xFFFFD800  }
0x67: {  	_ =	swait.ge [sflag:s25], $0x50  }
0x68: {  	[sflag:s25] =	ssyncset.done $0x0  }
0x69: {  	[sflag:s25] =	ssyncadd.s32 $0xFFFFFFB0  }
0x6a: {  	[spmem:s4] =	stream.indirect.scatter.add.f32 [tilespmem:s20], [sflag:$0x5], $0x80, s21, s19, $0xb8;
	[tilespmem:$0x1B100] =	vst v63  }
0x6b: {  	_ =	swait.ge [sflag:s17], $0x2800  }
0x6c: {  	s31 =	sadd.s32 $0xA0, s31;
	[sflag:s17] =	ssyncset.done $0x0  }
0x6d: {  	s0 =	sshrl.u32 s31, $0x3;
	[sflag:s17] =	ssyncadd.s32 $0xFFFFD800  }
0x6e: {  	[tilespmem:s20], [sflag:$0x1] =	stream.indirect.gather [hbm4b:s2+s19], $0x80, s30, s19, $0xb8;
	[tilespmem:$0x1B100] =	vst v63  }
0x6f: {  	s0 =	sadd.s32 s1, s0  }
0x70: {  	[tilespmem:s21], [sflag:$0x3] =	stream.linear.gather [hbm4b:s0+s5], $0x50, $0x38;
	[tilespmem:$0x1B100] =	vst v63  }
0x71: {  	_ =	swait.ge [sflag:s26], $0x2800  }
0x72: {  	[sflag:s26] =	ssyncset.done $0x0  }
0x73: {  	[sflag:s26] =	ssyncadd.s32 $0xFFFFD800  }
0x74: {  	_ =	swait.ge [sflag:s28], $0x50  }
0x75: {  	[sflag:s28] =	ssyncset.done $0x0  }
0x76: {  	[sflag:s28] =	ssyncadd.s32 $0xFFFFFFB0  }
0x77: {  	[spmem:s4] =	stream.indirect.scatter.add.f32 [tilespmem:s22], [sflag:$0x5], $0x80, s23, s19, $0xb8;
	[tilespmem:$0x1B100] =	vst v63  }
0x78: {  	_ =	swait.ge [sflag:s17], $0x2800  }
0x79: {  	[sflag:s17] =	ssyncset.done $0x0  }
0x7a: {  	[sflag:s17] =	ssyncadd.s32 $0xFFFFD800  }
0x7b: {  	_ =	swait.ge [sflag:s24], $0x2800  }
0x7c: {  	[sflag:s24] =	ssyncset.done $0x0  }
0x7d: {  	[sflag:s24] =	ssyncadd.s32 $0xFFFFD800  }
0x7e: {  	_ =	swait.ge [sflag:s25], $0x50  }
0x7f: {  	[sflag:s25] =	ssyncset.done $0x0  }
0x80: {  	[sflag:s25] =	ssyncadd.s32 $0xFFFFFFB0  }
0x81: {  	[spmem:s4] =	stream.indirect.scatter.add.f32 [tilespmem:s20], [sflag:$0x5], $0x80, s21, s19, $0xb8;
	[tilespmem:$0x1B100] =	vst v63  }
0x82: {  	_ =	swait.ge [sflag:s17], $0x2800  }
0x83: {  	[sflag:s17] =	ssyncset.done $0x0  }
0x84: {  	[sflag:s17] =	ssyncadd.s32 $0xFFFFD800  }
0x85: {  	[bflag:$0x0] =	sbarrier.arrive $0xFFFF  }
0x86: {  	[hbm:s11], [sflag:s7] =	dma.local [spmem:s16], $0x2700  }
0x87: {  	s29 =	sadd.s32 $0x1, s29;
	_ =	swait.ge [sflag:s17], $0x2700  }
0x88: {  	p1 =	sne.s32 s29, s13;
	[sflag:s17] =	ssyncset.done $0x0  }
.Ltmp1:
0x89: {  	s0 =	simm.s32 @!p0 $0x5;
	[sflag:s17] =	ssyncadd.s32 $0xFFFFD900;
	(pc) =	sbr.rel @p1 .LBB2_1-.Ltmp1, $4  }
0x8a: {  	[hbm:s12], [sflag:s7] =	dma.local @!p0 [spmem:s18], $0x100  }
0x8b: {  	_ =	swait.ge @!p0 [sflag:s0], $0x100  }
0x8c: {  	[sflag:s0] =	ssyncset.done @!p0 $0x0  }
0x8d: {  	[sflag:s0] =	ssyncadd.s32 @!p0 $0xFFFFFF00  }
0x8e: {  	_ =	sfence.sel $0x180000  }
0x8f: {  	[bflag:$0x0] =	sbarrier.arrive $0xFFFF  }
0x90: {  	_ =	strace $0x90000047  }
0x91: {  	s0 =	stileid.u32;
	[bflag:$0x2] =	sbarrier.arrive $0xFFFF  }
0x92: {  	p0 =	sne.s32 s0, $0x0;
	s0 =	rddreg [dreg:$0x6]  }
0x93: {  	s0 =	sadd.s32 @!p0 $0x100000, s0  }
0x94: {  	[sflag:s0] =	ssyncadd.tile.s32 @!p0 $0x1;
	_ =	shalt  }
.Lfunc_end2:
_tile_overlayer_lowered:
.L_overlay_start_2:
0x95: {  	(tag) =	ssettag $0x2  }
0x96: {  	s0 =	rddreg [dreg:$0x0];
	s2 =	stileid.u32  }
0x97: {  	s1 =	rddreg [dreg:$0x1];
	p0 =	sne.s32 s2, $0x0  }
0x98: {  	s3 =	rddreg [dreg:$0x2];
	[bflag:$0x3] =	sbarrier.arrive $0xFFFF;
	s2 =	simm.s32 @!p0 $0x1C05  }
0x99: {  	[timem:s3], [sflag:s2] =	dma.local @!p0 [hbm:s0], s1  }
0x9a: {  	s0 =	simm.s32 @!p0 $0x5  }
0x9b: {  	_ =	swait.ge @!p0 [sflag:s0], s1  }
0x9c: {  	s1 =	ssub.s32 @!p0 $0x0, s1;
	[sflag:s0] =	ssyncset.done @!p0 $0x0  }
0x9d: {  	[sflag:s0] =	ssyncadd.s32 @!p0 s1  }
0x9e: {  	[bflag:$0x3] =	sbarrier.arrive $0xFFFF  }
0x9f: {  	_ =	shalt  }

</sc_bundles>
